<compile_context>
chip_gen: v7x
topology: tpu7x:2x2x1
jax: 0.10.2.dev20260603
libtpu: 0.0.44.dev20260713+nightly
codegen_flags: <defaults>
</compile_context>

<pallas_src>
import functools

import jax
import jax.numpy as jnp
from jax import lax
from jax.experimental import pallas as pl
from jax.experimental.pallas import tpu as pltpu
from jax.experimental.pallas import tpu_sc as plsc

N_E = 8192
E_DIM = 256
BETA = 0.25
B, C, H = 8, 256, 1024
TOK = B * H

KB = 1024
WIN = 4096
KSTEPS = WIN // KB
MM_PREC = lax.Precision.DEFAULT


def _argmin_body(offs_ref, width_ref, z_ref, emb_ref, w_ref, b_ref, idx_ref,
                 qc_ref, zn_ref, rmin_ref, ridx_ref):
    b = pl.program_id(0)
    k = pl.program_id(1)

    @pl.when((b == 0) & (k == 0))
    def _project():
        qc_ref[...] = lax.dot_general(
            emb_ref[...], w_ref[...], (((1,), (1,)), ((), ())),
            precision=MM_PREC,
            preferred_element_type=jnp.float32) + b_ref[...]

    @pl.when(k == 0)
    def _init():
        z_b = z_ref[0]
        zn_ref[...] = jnp.sum(z_b * z_b, axis=0, keepdims=True)
        rmin_ref[...] = jnp.full((1, H), jnp.inf, jnp.float32)
        ridx_ref[...] = jnp.zeros((1, H), jnp.float32)

    @pl.when(k * KB < width_ref[b])
    def _compute():
        start = (offs_ref[b] + k) * KB
        qc = qc_ref[pl.ds(start, KB), :]
        cbn = jnp.sum(qc * qc, axis=1, keepdims=True)
        mm = lax.dot_general(qc, z_ref[0], (((1,), (0,)), ((), ())),
                             precision=MM_PREC,
                             preferred_element_type=jnp.float32)
        d = (zn_ref[...] + cbn) - 2.0 * mm

        rows = (jnp.float32(k * KB)
                + lax.broadcasted_iota(jnp.int32, (KB, 1), 0).astype(jnp.float32))
        cmin = jnp.min(d, axis=0, keepdims=True)
        cidx = jnp.min(jnp.where(d == cmin, rows, jnp.float32(2**30)),
                       axis=0, keepdims=True)

        take = cmin < rmin_ref[...]
        rmin_ref[...] = jnp.where(take, cmin, rmin_ref[...])
        ridx_ref[...] = jnp.where(take, cidx, ridx_ref[...])

    @pl.when(k == KSTEPS - 1)
    def _emit():
        idx_ref[0] = ridx_ref[...].astype(jnp.int32) + offs_ref[b] * KB


def _search(z, embedding, proj_W, proj_b, offs, width):
    grid_spec = pltpu.PrefetchScalarGridSpec(
        num_scalar_prefetch=2,
        grid=(B, KSTEPS),
        in_specs=[
            pl.BlockSpec((1, C, H), lambda b, k, offs, width: (b, 0, 0)),
            pl.BlockSpec((N_E, E_DIM), lambda b, k, offs, width: (0, 0)),
            pl.BlockSpec((E_DIM, E_DIM), lambda b, k, offs, width: (0, 0)),
            pl.BlockSpec((1, E_DIM), lambda b, k, offs, width: (0, 0)),
        ],
        out_specs=pl.BlockSpec((1, 1, H), lambda b, k, offs, width: (b, 0, 0)),
        scratch_shapes=[
            pltpu.VMEM((N_E, E_DIM), jnp.float32),
            pltpu.VMEM((1, H), jnp.float32),
            pltpu.VMEM((1, H), jnp.float32),
            pltpu.VMEM((1, H), jnp.float32),
        ],
    )
    return pl.pallas_call(
        _argmin_body,
        grid_spec=grid_spec,
        out_shape=jax.ShapeDtypeStruct((B, 1, H), jnp.int32),
    )(offs, width, z, embedding, proj_W, proj_b.reshape(1, E_DIM))


_CHUNK = 128


def _sc_gather(table, idx_flat):
    info = plsc.get_sparse_core_info()
    _NC, _NS = info.num_cores, info.num_subcores
    _NW = _NC * _NS
    _ROWS_PER_W = TOK // _NW
    mesh = plsc.VectorSubcoreMesh(core_axis_name="c", subcore_axis_name="s")

    @functools.partial(
        pl.kernel,
        out_type=jax.ShapeDtypeStruct((TOK, E_DIM), jnp.float32),
        mesh=mesh,
        scratch_types=[
            pltpu.VMEM((_CHUNK,), jnp.int32),
            pltpu.VMEM((_CHUNK,), jnp.int32),
            pltpu.VMEM((_ROWS_PER_W, E_DIM), jnp.float32),
            pltpu.SemaphoreType.DMA,
        ],
    )
    def gather(table_hbm, idx_hbm, out_hbm, idx_a, idx_b, rows_v, sem):
        wid = lax.axis_index("s") * _NC + lax.axis_index("c")
        base = wid * _ROWS_PER_W
        pltpu.sync_copy(idx_hbm.at[pl.ds(base, _CHUNK)], idx_a)
        pltpu.sync_copy(idx_hbm.at[pl.ds(base + _CHUNK, _CHUNK)], idx_b)
        cp1 = pltpu.async_copy(table_hbm.at[idx_a],
                               rows_v.at[pl.ds(0, _CHUNK)], sem)
        cp2 = pltpu.async_copy(table_hbm.at[idx_b],
                               rows_v.at[pl.ds(_CHUNK, _CHUNK)], sem)
        cp1.wait()
        cp2.wait()
        pltpu.sync_copy(rows_v, out_hbm.at[pl.ds(base, _ROWS_PER_W)])

    return gather(table, idx_flat)


def _final_body(z_ref, er_ref, w_ref, b_ref, out_ref, part_ref):
    zq = lax.dot_general(er_ref[0], w_ref[...], (((1,), (1,)), ((), ())),
                         precision=MM_PREC,
                         preferred_element_type=jnp.float32) + b_ref[...]
    zq_t = jnp.transpose(zq, (1, 0))
    z_b = z_ref[0]
    out_ref[0] = zq_t
    diff = zq_t - z_b
    part_ref[0, 0, 0] = jnp.sum(diff * diff)


def _finalize(z, emb_rows, proj_W, proj_b):
    return pl.pallas_call(
        _final_body,
        grid=(B,),
        in_specs=[
            pl.BlockSpec((1, C, H), lambda b: (b, 0, 0)),
            pl.BlockSpec((1, H, C), lambda b: (b, 0, 0)),
            pl.BlockSpec((E_DIM, E_DIM), lambda b: (0, 0)),
            pl.BlockSpec((1, E_DIM), lambda b: (0, 0)),
        ],
        out_specs=[
            pl.BlockSpec((1, C, H), lambda b: (b, 0, 0)),
            pl.BlockSpec((1, 1, 1), lambda b: (b, 0, 0),
                         memory_space=pltpu.SMEM),
        ],
        out_shape=[
            jax.ShapeDtypeStruct((B, C, H), jnp.float32),
            jax.ShapeDtypeStruct((B, 1, 1), jnp.float32),
        ],
    )(z, emb_rows.reshape(B, H, E_DIM), proj_W, proj_b.reshape(1, E_DIM))


def kernel(z, audio_domain, n_q, embedding, proj_W, proj_b):
    del n_q
    dom = audio_domain.astype(jnp.int32)
    offs = dom * (2048 // KB)
    width = jnp.where(dom == 2, 4096, 2048).astype(jnp.int32)

    idx = _search(z, embedding, proj_W, proj_b, offs, width).reshape(B, H)
    emb_rows = _sc_gather(embedding, idx.reshape(TOK))
    z_q, parts = _finalize(z, emb_rows, proj_W, proj_b)

    commit_loss = jnp.sum(parts) * ((1.0 + BETA) / (B * C * H))
    return (z_q, idx.reshape(1, B, H), commit_loss)

# --- scband reference (transcript-rebuilt; emitter-appended) ---
"""Pipeline reference for scband-sim-vq1-d-24541443129907 (READ-ONLY COPY).

The authoritative reference and input builder live on the scoring server;
editing this copy changes nothing except your own understanding.
"""

import jax, jax.numpy as jnp
import numpy as np

N_E = 8192
E_DIM = 256
BETA = 0.25
B, C, H = 8, 256, 1024


def setup_inputs(seed: int = 0) -> dict:
    key = jax.random.key(seed)
    k1, k2, k3, k4, k5 = jax.random.split(key, 5)
    z = jax.random.normal(k1, (B, C, H), dtype=jnp.float32)
    audio_domain = jax.random.randint(k2, (B,), 0, 3, dtype=jnp.int64) if jax.config.jax_enable_x64 else jax.random.randint(k2, (B,), 0, 3, dtype=jnp.int32)
    embedding = jax.random.normal(k3, (N_E, E_DIM), dtype=jnp.float32) * (E_DIM ** -0.5)
    bound = 1.0 / np.sqrt(E_DIM)
    proj_W = jax.random.uniform(k4, (E_DIM, E_DIM), dtype=jnp.float32, minval=-bound, maxval=bound)
    proj_b = jax.random.uniform(k5, (E_DIM,), dtype=jnp.float32, minval=-bound, maxval=bound)
    return {"z": z, "audio_domain": audio_domain, "n_q": 8, "embedding": embedding, "proj_W": proj_W, "proj_b": proj_b}


def reference(z, audio_domain, n_q, embedding, proj_W, proj_b):
    # z: (b, c, h) -> (b, h, c)
    zt = jnp.transpose(z, (0, 2, 1))
    b, h, c = zt.shape
    z_flat = zt.reshape(-1, E_DIM)
    # quant_codebook = embedding_proj(embedding.weight)
    quant_codebook = z_flat.dtype.type(0)  # placeholder removed below
    quant_codebook = embedding @ proj_W.T + proj_b  # (n_e, e_dim)
    d = (jnp.sum(z_flat ** 2, axis=1, keepdims=True)
         + jnp.sum(quant_codebook ** 2, axis=1)
         - 2.0 * (z_flat @ quant_codebook.T))  # (b*h, n_e)
    d = d.reshape(b, h, N_E)
    code_size = N_E // 4
    idxr = jnp.arange(N_E)
    mask0 = idxr >= code_size
    mask1 = (idxr < code_size) | (idxr >= 2 * code_size)
    mask2 = idxr < 2 * code_size
    dom = audio_domain[:, None, None]
    mask = jnp.where(dom == 0, mask0[None, None, :],
            jnp.where(dom == 1, mask1[None, None, :],
             jnp.where(dom == 2, mask2[None, None, :], jnp.zeros_like(mask0[None, None, :]))))
    d = jnp.where(mask, jnp.float32(jnp.inf), d)
    min_encoding_indices = jnp.argmin(d, axis=2)  # (b, h)
    z_q = jnp.take(quant_codebook, min_encoding_indices.reshape(-1), axis=0).reshape(zt.shape)
    commit_loss = (jnp.mean((jax.lax.stop_gradient(z_q) - zt) ** 2)
                   + BETA * jnp.mean((z_q - jax.lax.stop_gradient(zt)) ** 2))
    z_q = zt + jax.lax.stop_gradient(z_q - zt)
    z_q = jnp.transpose(z_q, (0, 2, 1))  # (b, c, h)
    min_encoding_indices = min_encoding_indices.reshape(1, z_q.shape[0], z_q.shape[2])
    return (z_q, min_encoding_indices, commit_loss)

if __name__ == "__main__":
    import jax
    _d = setup_inputs()
    print(jax.jit(kernel)(*tuple(_d.values())))

</pallas_src>

<mosaic_0001>
#map = affine_map<(d0, d1) -> (0, 0)>
#map1 = affine_map<(d0, d1) -> (0)>
module attributes {stable_mosaic.version = 14 : i64} {
  func.func @gather(%arg0: i32, %arg1: i32, %arg2: memref<8192x256xf32, #tpu.memory_space<hbm>>, %arg3: memref<8192xi32, #tpu.memory_space<hbm>>, %arg4: memref<8192x256xf32, #tpu.memory_space<hbm>>, %arg5: memref<128xi32, #tpu.memory_space<vmem>>, %arg6: memref<128xi32, #tpu.memory_space<vmem>>, %arg7: memref<256x256xf32, #tpu.memory_space<vmem>>, %arg8: memref<!tpu.dma_semaphore, #tpu.memory_space<semaphore_mem>>) attributes {dimension_semantics = [#tpu.dimension_semantics<core_parallel>, #tpu.dimension_semantics<subcore_parallel>], iteration_bounds = array<i64: 2, 16>, scalar_prefetch = 0 : i64, scratch_operands = 4 : i64, tpu.core_type = #tpu.core_type<sc_vector_subcore>, window_params = [{transform_indices = #map}, {transform_indices = #map1}, {transform_indices = #map}]} {
    %mul3A = arith.constant 2 : i32
    %mul3A_0 = arith.muli %arg1, %mul3A : i32
    %add3A = arith.addi %mul3A_0, %arg0 : i32
    %mul3A_1 = arith.constant 256 : i32
    %mul3A_2 = arith.muli %add3A, %mul3A_1 : i32
    "tpu.region"() ({
      %run_scoped3A = tpu.sem_alloc : memref<!tpu.dma_semaphore, #tpu.memory_space<semaphore_mem>>
      %dma_start3A_27 = tpu.memref_slice %arg3[%mul3A_2] : memref<8192xi32, #tpu.memory_space<hbm>> -> memref<128xi32, #tpu.memory_space<hbm>>
      %dma_start3A_28 = tpu.memref_slice %arg3[%mul3A_2] : memref<8192xi32, #tpu.memory_space<hbm>> -> memref<128xi32, #tpu.memory_space<hbm>>
      tpu.enqueue_dma source(%dma_start3A_28 : memref<128xi32, #tpu.memory_space<hbm>>) target(%arg5 : memref<128xi32, #tpu.memory_space<vmem>>) target_semaphore(%run_scoped3A : memref<!tpu.dma_semaphore, #tpu.memory_space<semaphore_mem>>)
      %dma_wait3A_29 = tpu.memref_slice %arg3[%mul3A_2] : memref<8192xi32, #tpu.memory_space<hbm>> -> memref<128xi32, #tpu.memory_space<hbm>>
      %dma_wait3A_30 = tpu.memref_slice %arg3[%mul3A_2] : memref<8192xi32, #tpu.memory_space<hbm>> -> memref<128xi32, #tpu.memory_space<hbm>>
      tpu.wait_dma2 semaphore(%run_scoped3A : memref<!tpu.dma_semaphore, #tpu.memory_space<semaphore_mem>>) src(%dma_wait3A_30 : memref<128xi32, #tpu.memory_space<hbm>>) dst(%arg5 : memref<128xi32, #tpu.memory_space<vmem>>)
      tpu.yield
    }) : () -> ()
    %add3A_3 = arith.constant 128 : i32
    %add3A_4 = arith.addi %mul3A_2, %add3A_3 : i32
    "tpu.region"() ({
      %run_scoped3A = tpu.sem_alloc : memref<!tpu.dma_semaphore, #tpu.memory_space<semaphore_mem>>
      %dma_start3A_27 = tpu.memref_slice %arg3[%add3A_4] : memref<8192xi32, #tpu.memory_space<hbm>> -> memref<128xi32, #tpu.memory_space<hbm>>
      %dma_start3A_28 = tpu.memref_slice %arg3[%add3A_4] : memref<8192xi32, #tpu.memory_space<hbm>> -> memref<128xi32, #tpu.memory_space<hbm>>
      tpu.enqueue_dma source(%dma_start3A_28 : memref<128xi32, #tpu.memory_space<hbm>>) target(%arg6 : memref<128xi32, #tpu.memory_space<vmem>>) target_semaphore(%run_scoped3A : memref<!tpu.dma_semaphore, #tpu.memory_space<semaphore_mem>>)
      %dma_wait3A_29 = tpu.memref_slice %arg3[%add3A_4] : memref<8192xi32, #tpu.memory_space<hbm>> -> memref<128xi32, #tpu.memory_space<hbm>>
      %dma_wait3A_30 = tpu.memref_slice %arg3[%add3A_4] : memref<8192xi32, #tpu.memory_space<hbm>> -> memref<128xi32, #tpu.memory_space<hbm>>
      tpu.wait_dma2 semaphore(%run_scoped3A : memref<!tpu.dma_semaphore, #tpu.memory_space<semaphore_mem>>) src(%dma_wait3A_30 : memref<128xi32, #tpu.memory_space<hbm>>) dst(%arg6 : memref<128xi32, #tpu.memory_space<vmem>>)
      tpu.yield
    }) : () -> ()
    %dma_start3A = arith.constant 0 : i32
    %dma_start3A_5 = arith.constant 0 : i32
    %dma_start3A_6 = tpu.memref_slice %arg7[%dma_start3A, %dma_start3A_5] : memref<256x256xf32, #tpu.memory_space<vmem>> -> memref<128x256xf32, #tpu.memory_space<vmem>>
    %dma_start3A_7 = arith.constant 0 : i32
    %dma_start3A_8 = arith.constant 0 : i32
    %dma_start3A_9 = tpu.memref_slice %arg2[%dma_start3A_7, %dma_start3A_8] : memref<8192x256xf32, #tpu.memory_space<hbm>> -> memref<8192x256xf32, #tpu.memory_space<hbm>>
    tpu.enqueue_indirect_dma source(%dma_start3A_9 : memref<8192x256xf32, #tpu.memory_space<hbm>>) target(%dma_start3A_6 : memref<128x256xf32, #tpu.memory_space<vmem>>) offsets(%arg5 : memref<128xi32, #tpu.memory_space<vmem>>) semaphore(%arg8 : memref<!tpu.dma_semaphore, #tpu.memory_space<semaphore_mem>>)
    %dma_start3A_10 = arith.constant 128 : i32
    %dma_start3A_11 = arith.constant 0 : i32
    %dma_start3A_12 = tpu.memref_slice %arg7[%dma_start3A_10, %dma_start3A_11] : memref<256x256xf32, #tpu.memory_space<vmem>> -> memref<128x256xf32, #tpu.memory_space<vmem>>
    %dma_start3A_13 = arith.constant 0 : i32
    %dma_start3A_14 = arith.constant 0 : i32
    %dma_start3A_15 = tpu.memref_slice %arg2[%dma_start3A_13, %dma_start3A_14] : memref<8192x256xf32, #tpu.memory_space<hbm>> -> memref<8192x256xf32, #tpu.memory_space<hbm>>
    tpu.enqueue_indirect_dma source(%dma_start3A_15 : memref<8192x256xf32, #tpu.memory_space<hbm>>) target(%dma_start3A_12 : memref<128x256xf32, #tpu.memory_space<vmem>>) offsets(%arg6 : memref<128xi32, #tpu.memory_space<vmem>>) semaphore(%arg8 : memref<!tpu.dma_semaphore, #tpu.memory_space<semaphore_mem>>)
    %dma_wait3A = arith.constant 0 : i32
    %dma_wait3A_16 = arith.constant 0 : i32
    %dma_wait3A_17 = tpu.memref_slice %arg7[%dma_wait3A, %dma_wait3A_16] : memref<256x256xf32, #tpu.memory_space<vmem>> -> memref<128x256xf32, #tpu.memory_space<vmem>>
    %dma_wait3A_18 = arith.constant 0 : i32
    %dma_wait3A_19 = arith.constant 0 : i32
    %dma_wait3A_20 = tpu.memref_slice %arg2[%dma_wait3A_18, %dma_wait3A_19] : memref<8192x256xf32, #tpu.memory_space<hbm>> -> memref<8192x256xf32, #tpu.memory_space<hbm>>
    tpu.wait_indirect_dma semaphore(%arg8 : memref<!tpu.dma_semaphore, #tpu.memory_space<semaphore_mem>>) src(%dma_wait3A_20 : memref<8192x256xf32, #tpu.memory_space<hbm>>) dst(%dma_wait3A_17 : memref<128x256xf32, #tpu.memory_space<vmem>>)
    %dma_wait3A_21 = arith.constant 128 : i32
    %dma_wait3A_22 = arith.constant 0 : i32
    %dma_wait3A_23 = tpu.memref_slice %arg7[%dma_wait3A_21, %dma_wait3A_22] : memref<256x256xf32, #tpu.memory_space<vmem>> -> memref<128x256xf32, #tpu.memory_space<vmem>>
    %dma_wait3A_24 = arith.constant 0 : i32
    %dma_wait3A_25 = arith.constant 0 : i32
    %dma_wait3A_26 = tpu.memref_slice %arg2[%dma_wait3A_24, %dma_wait3A_25] : memref<8192x256xf32, #tpu.memory_space<hbm>> -> memref<8192x256xf32, #tpu.memory_space<hbm>>
    tpu.wait_indirect_dma semaphore(%arg8 : memref<!tpu.dma_semaphore, #tpu.memory_space<semaphore_mem>>) src(%dma_wait3A_26 : memref<8192x256xf32, #tpu.memory_space<hbm>>) dst(%dma_wait3A_23 : memref<128x256xf32, #tpu.memory_space<vmem>>)
    "tpu.region"() ({
      %run_scoped3A = tpu.sem_alloc : memref<!tpu.dma_semaphore, #tpu.memory_space<semaphore_mem>>
      %dma_start3A_27 = arith.constant 0 : i32
      %dma_start3A_28 = tpu.memref_slice %arg4[%mul3A_2, %dma_start3A_27] : memref<8192x256xf32, #tpu.memory_space<hbm>> -> memref<256x256xf32, #tpu.memory_space<hbm>>
      %dma_start3A_29 = arith.constant 0 : i32
      %dma_start3A_30 = tpu.memref_slice %arg4[%mul3A_2, %dma_start3A_29] : memref<8192x256xf32, #tpu.memory_space<hbm>> -> memref<256x256xf32, #tpu.memory_space<hbm>>
      tpu.enqueue_dma source(%arg7 : memref<256x256xf32, #tpu.memory_space<vmem>>) target(%dma_start3A_30 : memref<256x256xf32, #tpu.memory_space<hbm>>) target_semaphore(%run_scoped3A : memref<!tpu.dma_semaphore, #tpu.memory_space<semaphore_mem>>)
      %dma_wait3A_31 = arith.constant 0 : i32
      %dma_wait3A_32 = tpu.memref_slice %arg4[%mul3A_2, %dma_wait3A_31] : memref<8192x256xf32, #tpu.memory_space<hbm>> -> memref<256x256xf32, #tpu.memory_space<hbm>>
      %dma_wait3A_33 = arith.constant 0 : i32
      %dma_wait3A_34 = tpu.memref_slice %arg4[%mul3A_2, %dma_wait3A_33] : memref<8192x256xf32, #tpu.memory_space<hbm>> -> memref<256x256xf32, #tpu.memory_space<hbm>>
      tpu.wait_dma2 semaphore(%run_scoped3A : memref<!tpu.dma_semaphore, #tpu.memory_space<semaphore_mem>>) src(%arg7 : memref<256x256xf32, #tpu.memory_space<vmem>>) dst(%dma_wait3A_34 : memref<256x256xf32, #tpu.memory_space<hbm>>)
      tpu.yield
    }) : () -> ()
    return
  }
}

module attributes {stable_mosaic.version = 14 : i64} {
  func.func @_argmin_body(%arg0: i32, %arg1: i32, %arg2: memref<8xi32, #tpu.memory_space<smem>>, %arg3: memref<8xi32, #tpu.memory_space<smem>>, %arg4: memref<1x256x1024xf32, #tpu.memory_space<vmem>>, %arg5: memref<8192x256xf32, #tpu.memory_space<vmem>>, %arg6: memref<256x256xf32, #tpu.memory_space<vmem>>, %arg7: memref<1x256xf32, #tpu.memory_space<vmem>>, %arg8: memref<1x1x1024xi32, #tpu.memory_space<vmem>>, %arg9: memref<8192x256xf32, #tpu.memory_space<vmem>>, %arg10: memref<1x1024xf32, #tpu.memory_space<vmem>>, %arg11: memref<1x1024xf32, #tpu.memory_space<vmem>>, %arg12: memref<1x1024xf32, #tpu.memory_space<vmem>>) attributes {dimension_semantics = [#tpu.dimension_semantics<arbitrary>, #tpu.dimension_semantics<arbitrary>], iteration_bounds = array<i64: 8, 4>, scalar_prefetch = 2 : i64, scratch_operands = 4 : i64, tpu.core_type = #tpu.core_type<tc>, window_params = [{transform_indices = @transform_0, window_bounds = array<i64: 1, 256, 1024>}, {pipeline_mode = #tpu.pipeline_mode<synchronous>, transform_indices = @transform_1, window_bounds = array<i64: 8192, 256>}, {pipeline_mode = #tpu.pipeline_mode<synchronous>, transform_indices = @transform_2, window_bounds = array<i64: 256, 256>}, {pipeline_mode = #tpu.pipeline_mode<synchronous>, transform_indices = @transform_3, window_bounds = array<i64: 1, 256>}, {transform_indices = @transform_4, window_bounds = array<i64: 1, 1, 1024>}]} {
    %eq3A = arith.constant 0 : i32
    %eq3A_0 = arith.cmpi eq, %arg0, %eq3A : i32
    %eq3A_1 = arith.constant 0 : i32
    %eq3A_2 = arith.cmpi eq, %arg1, %eq3A_1 : i32
    %and3A = arith.andi %eq3A_0, %eq3A_2 : i1
    %convert_element_type3A = arith.extui %and3A : i1 to i32
    %cond3A = arith.constant 0 : i32
    %cond3A_3 = arith.cmpi ne, %convert_element_type3A, %cond3A : i32
    scf.if %cond3A_3 {
      %get3A_19 = arith.constant 0 : index
      %get3A_20 = arith.constant 0 : index
      %get3A_21 = vector.load %arg5[%get3A_19, %get3A_20] : memref<8192x256xf32, #tpu.memory_space<vmem>>, vector<8192x256xf32>
      %get3A_22 = arith.constant 0 : index
      %get3A_23 = arith.constant 0 : index
      %get3A_24 = vector.load %arg6[%get3A_22, %get3A_23] : memref<256x256xf32, #tpu.memory_space<vmem>>, vector<256x256xf32>
      %dot_general3A = arith.constant dense<0.000000e+00> : vector<8192x256xf32>
      %dot_general3A_25 = tpu.matmul %get3A_21, %get3A_24, %dot_general3A {dimension_numbers = #tpu.dot_dimension_numbers<[1], [1], [0], [0], [0, 0, 1, 0], [], []>, transpose_lhs_hint = false} : vector<8192x256xf32>, vector<256x256xf32>, vector<8192x256xf32> -> vector<8192x256xf32>
      %get3A_26 = arith.constant 0 : index
      %get3A_27 = arith.constant 0 : index
      %get3A_28 = vector.load %arg7[%get3A_26, %get3A_27] : memref<1x256xf32, #tpu.memory_space<vmem>>, vector<1x256xf32>
      %add3A = vector.broadcast %get3A_28 : vector<1x256xf32> to vector<8192x256xf32>
      %add3A_29 = arith.addf %dot_general3A_25, %add3A : vector<8192x256xf32>
      %swap3A = arith.constant 0 : index
      %swap3A_30 = arith.constant 0 : index
      %swap3A_31 = vector.load %arg9[%swap3A, %swap3A_30] : memref<8192x256xf32, #tpu.memory_space<vmem>>, vector<8192x256xf32>
      tpu.vector_store %arg9[%swap3A, %swap3A_30], %add3A_29 {strides = array<i32>} : memref<8192x256xf32, #tpu.memory_space<vmem>>, vector<8192x256xf32>,
    } else {
    }
    %eq3A_4 = arith.constant 0 : i32
    %eq3A_5 = arith.cmpi eq, %arg1, %eq3A_4 : i32
    %convert_element_type3A_6 = arith.extui %eq3A_5 : i1 to i32
    %cond3A_7 = arith.constant 0 : i32
    %cond3A_8 = arith.cmpi ne, %convert_element_type3A_6, %cond3A_7 : i32
    scf.if %cond3A_8 {
      %get3A_19 = arith.constant 0 : index
      %get3A_20 = arith.constant 0 : index
      %get3A_21 = arith.constant 0 : index
      %get3A_22 = vector.load %arg4[%get3A_19, %get3A_20, %get3A_21] : memref<1x256x1024xf32, #tpu.memory_space<vmem>>, vector<1x256x1024xf32>
      %get3A_23 = vector.shape_cast %get3A_22 : vector<1x256x1024xf32> to vector<256x1024xf32>
      %mul3A_24 = arith.mulf %get3A_23, %get3A_23 : vector<256x1024xf32>
      %reduce_sum3A = arith.constant dense<0.000000e+00> : vector<1024xf32>
      %reduce_sum3A_25 = vector.multi_reduction <add>, %mul3A_24, %reduce_sum3A [0] : vector<256x1024xf32> to vector<1024xf32>
      %broadcast_in_dim3A = vector.shape_cast %reduce_sum3A_25 : vector<1024xf32> to vector<1x1024xf32>
      %swap3A = arith.constant 0 : index
      %swap3A_26 = arith.constant 0 : index
      %swap3A_27 = vector.load %arg10[%swap3A, %swap3A_26] : memref<1x1024xf32, #tpu.memory_space<vmem>>, vector<1x1024xf32>
      tpu.vector_store %arg10[%swap3A, %swap3A_26], %broadcast_in_dim3A {strides = array<i32>} : memref<1x1024xf32, #tpu.memory_space<vmem>>, vector<1x1024xf32>,
      %broadcast_in_dim3A_28 = arith.constant 0x7F800000 : f32
      %broadcast_in_dim3A_29 = vector.broadcast %broadcast_in_dim3A_28 : f32 to vector<1x1024xf32>
      %swap3A_30 = arith.constant 0 : index
      %swap3A_31 = arith.constant 0 : index
      %swap3A_32 = vector.load %arg11[%swap3A_30, %swap3A_31] : memref<1x1024xf32, #tpu.memory_space<vmem>>, vector<1x1024xf32>
      tpu.vector_store %arg11[%swap3A_30, %swap3A_31], %broadcast_in_dim3A_29 {strides = array<i32>} : memref<1x1024xf32, #tpu.memory_space<vmem>>, vector<1x1024xf32>,
      %broadcast_in_dim3A_33 = arith.constant 0.000000e+00 : f32
      %broadcast_in_dim3A_34 = vector.broadcast %broadcast_in_dim3A_33 : f32 to vector<1x1024xf32>
      %swap3A_35 = arith.constant 0 : index
      %swap3A_36 = arith.constant 0 : index
      %swap3A_37 = vector.load %arg12[%swap3A_35, %swap3A_36] : memref<1x1024xf32, #tpu.memory_space<vmem>>, vector<1x1024xf32>
      tpu.vector_store %arg12[%swap3A_35, %swap3A_36], %broadcast_in_dim3A_34 {strides = array<i32>} : memref<1x1024xf32, #tpu.memory_space<vmem>>, vector<1x1024xf32>,
    } else {
    }
    %mul3A = arith.constant 1024 : i32
    %mul3A_9 = arith.muli %arg1, %mul3A : i32
    %get3A = arith.index_cast %arg0 : i32 to index
    %get3A_10 = memref.load %arg3[%get3A] : memref<8xi32, #tpu.memory_space<smem>>
    %lt3A = arith.cmpi slt, %mul3A_9, %get3A_10 : i32
    %convert_element_type3A_11 = arith.extui %lt3A : i1 to i32
    %cond3A_12 = arith.constant 0 : i32
    %cond3A_13 = arith.cmpi ne, %convert_element_type3A_11, %cond3A_12 : i32
    scf.if %cond3A_13 {
      %get3A_19 = arith.index_cast %arg0 : i32 to index
      %get3A_20 = memref.load %arg2[%get3A_19] : memref<8xi32, #tpu.memory_space<smem>>
      %add3A = arith.addi %get3A_20, %arg1 : i32
      %mul3A_21 = arith.constant 1024 : i32
      %mul3A_22 = arith.muli %add3A, %mul3A_21 : i32
      %get3A_23 = arith.index_cast %mul3A_22 : i32 to index
      %get3A_24 = arith.constant 0 : index
      %get3A_25 = vector.load %arg9[%get3A_23, %get3A_24] : memref<8192x256xf32, #tpu.memory_space<vmem>>, vector<1024x256xf32>
      %mul3A_26 = arith.mulf %get3A_25, %get3A_25 : vector<1024x256xf32>
      %reduce_sum3A = arith.constant dense<0.000000e+00> : vector<1024xf32>
      %reduce_sum3A_27 = vector.multi_reduction <add>, %mul3A_26, %reduce_sum3A [1] : vector<1024x256xf32> to vector<1024xf32>
      %broadcast_in_dim3A = vector.shape_cast %reduce_sum3A_27 : vector<1024xf32> to vector<1024x1xf32>
      %get3A_28 = arith.constant 0 : index
      %get3A_29 = arith.constant 0 : index
      %get3A_30 = arith.constant 0 : index
      %get3A_31 = vector.load %arg4[%get3A_28, %get3A_29, %get3A_30] : memref<1x256x1024xf32, #tpu.memory_space<vmem>>, vector<1x256x1024xf32>
      %get3A_32 = vector.shape_cast %get3A_31 : vector<1x256x1024xf32> to vector<256x1024xf32>
      %dot_general3A = arith.constant dense<0.000000e+00> : vector<1024x1024xf32>
      %dot_general3A_33 = tpu.matmul %get3A_25, %get3A_32, %dot_general3A {dimension_numbers = #tpu.dot_dimension_numbers<[1], [0], [0], [1], [0, 0, 1, 1], [], []>, transpose_lhs_hint = false} : vector<1024x256xf32>, vector<256x1024xf32>, vector<1024x1024xf32> -> vector<1024x1024xf32>
      %get3A_34 = arith.constant 0 : index
      %get3A_35 = arith.constant 0 : index
      %get3A_36 = vector.load %arg10[%get3A_34, %get3A_35] : memref<1x1024xf32, #tpu.memory_space<vmem>>, vector<1x1024xf32>
      %add3A_37 = vector.broadcast %get3A_36 : vector<1x1024xf32> to vector<1024x1024xf32>
      %add3A_38 = vector.broadcast %broadcast_in_dim3A : vector<1024x1xf32> to vector<1024x1024xf32>
      %add3A_39 = arith.addf %add3A_37, %add3A_38 : vector<1024x1024xf32>
      %mul3A_40 = arith.constant 2.000000e+00 : f32
      %mul3A_41 = vector.broadcast %mul3A_40 : f32 to vector<1024x1024xf32>
      %mul3A_42 = arith.mulf %mul3A_41, %dot_general3A_33 : vector<1024x1024xf32>
      %sub3A = arith.subf %add3A_39, %mul3A_42 : vector<1024x1024xf32>
      %mul3A_43 = arith.constant 1024 : i32
      %mul3A_44 = arith.muli %arg1, %mul3A_43 : i32
      %convert_element_type3A_45 = arith.sitofp %mul3A_44 : i32 to f32
      %iota3A = tpu.iota {dimensions = array<i32: 0>} : vector<1024x1xi32>
      %convert_element_type3A_46 = arith.sitofp %iota3A : vector<1024x1xi32> to vector<1024x1xf32>
      %add3A_47 = vector.broadcast %convert_element_type3A_45 : f32 to vector<1024x1xf32>
      %add3A_48 = arith.addf %add3A_47, %convert_element_type3A_46 : vector<1024x1xf32>
      %reduce_min3A = arith.constant dense<0x7F800000> : vector<1024xf32>
      %reduce_min3A_49 = vector.multi_reduction <minimumf>, %sub3A, %reduce_min3A [0] : vector<1024x1024xf32> to vector<1024xf32>
      %broadcast_in_dim3A_50 = vector.shape_cast %reduce_min3A_49 : vector<1024xf32> to vector<1x1024xf32>
      %eq3A_51 = vector.broadcast %broadcast_in_dim3A_50 : vector<1x1024xf32> to vector<1024x1024xf32>
      %eq3A_52 = arith.cmpf oeq, %sub3A, %eq3A_51 : vector<1024x1024xf32>
      %jit3A = arith.constant 1.07374182E+9 : f32
      %broadcast_in_dim3A_53 = vector.shape_cast %add3A_48 : vector<1024x1xf32> to vector<1024x1xf32>
      %broadcast_in_dim3A_54 = vector.broadcast %broadcast_in_dim3A_53 : vector<1024x1xf32> to vector<1024x1024xf32>
      %broadcast_in_dim3A_55 = vector.broadcast %jit3A : f32 to vector<1024x1024xf32>
      %select_n3A = arith.select %eq3A_52, %broadcast_in_dim3A_54, %broadcast_in_dim3A_55 : vector<1024x1024xi1>, vector<1024x1024xf32>
      %reduce_min3A_56 = arith.constant dense<0x7F800000> : vector<1024xf32>
      %reduce_min3A_57 = vector.multi_reduction <minimumf>, %select_n3A, %reduce_min3A_56 [0] : vector<1024x1024xf32> to vector<1024xf32>
      %broadcast_in_dim3A_58 = vector.shape_cast %reduce_min3A_57 : vector<1024xf32> to vector<1x1024xf32>
      %get3A_59 = arith.constant 0 : index
      %get3A_60 = arith.constant 0 : index
      %get3A_61 = vector.load %arg11[%get3A_59, %get3A_60] : memref<1x1024xf32, #tpu.memory_space<vmem>>, vector<1x1024xf32>
      %lt3A_62 = arith.cmpf olt, %broadcast_in_dim3A_50, %get3A_61 : vector<1x1024xf32>
      %get3A_63 = arith.constant 0 : index
      %get3A_64 = arith.constant 0 : index
      %get3A_65 = vector.load %arg11[%get3A_63, %get3A_64] : memref<1x1024xf32, #tpu.memory_space<vmem>>, vector<1x1024xf32>
      %select_n3A_66 = arith.select %lt3A_62, %broadcast_in_dim3A_50, %get3A_65 : vector<1x1024xi1>, vector<1x1024xf32>
      %swap3A = arith.constant 0 : index
      %swap3A_67 = arith.constant 0 : index
      %swap3A_68 = vector.load %arg11[%swap3A, %swap3A_67] : memref<1x1024xf32, #tpu.memory_space<vmem>>, vector<1x1024xf32>
      tpu.vector_store %arg11[%swap3A, %swap3A_67], %select_n3A_66 {strides = array<i32>} : memref<1x1024xf32, #tpu.memory_space<vmem>>, vector<1x1024xf32>,
      %get3A_69 = arith.constant 0 : index
      %get3A_70 = arith.constant 0 : index
      %get3A_71 = vector.load %arg12[%get3A_69, %get3A_70] : memref<1x1024xf32, #tpu.memory_space<vmem>>, vector<1x1024xf32>
      %select_n3A_72 = arith.select %lt3A_62, %broadcast_in_dim3A_58, %get3A_71 : vector<1x1024xi1>, vector<1x1024xf32>
      %swap3A_73 = arith.constant 0 : index
      %swap3A_74 = arith.constant 0 : index
      %swap3A_75 = vector.load %arg12[%swap3A_73, %swap3A_74] : memref<1x1024xf32, #tpu.memory_space<vmem>>, vector<1x1024xf32>
      tpu.vector_store %arg12[%swap3A_73, %swap3A_74], %select_n3A_72 {strides = array<i32>} : memref<1x1024xf32, #tpu.memory_space<vmem>>, vector<1x1024xf32>,
    } else {
    }
    %eq3A_14 = arith.constant 3 : i32
    %eq3A_15 = arith.cmpi eq, %arg1, %eq3A_14 : i32
    %convert_element_type3A_16 = arith.extui %eq3A_15 : i1 to i32
    %cond3A_17 = arith.constant 0 : i32
    %cond3A_18 = arith.cmpi ne, %convert_element_type3A_16, %cond3A_17 : i32
    scf.if %cond3A_18 {
      %get3A_19 = arith.constant 0 : index
      %get3A_20 = arith.constant 0 : index
      %get3A_21 = vector.load %arg12[%get3A_19, %get3A_20] : memref<1x1024xf32, #tpu.memory_space<vmem>>, vector<1x1024xf32>
      %convert_element_type3A_22 = arith.fptosi %get3A_21 : vector<1x1024xf32> to vector<1x1024xi32>
      %get3A_23 = arith.index_cast %arg0 : i32 to index
      %get3A_24 = memref.load %arg2[%get3A_23] : memref<8xi32, #tpu.memory_space<smem>>
      %mul3A_25 = arith.constant 1024 : i32
      %mul3A_26 = arith.muli %get3A_24, %mul3A_25 : i32
      %add3A = vector.broadcast %mul3A_26 : i32 to vector<1x1024xi32>
      %add3A_27 = arith.addi %convert_element_type3A_22, %add3A : vector<1x1024xi32>
      %swap3A = arith.constant 0 : index
      %swap3A_28 = arith.constant 0 : index
      %swap3A_29 = arith.constant 0 : index
      %swap3A_30 = vector.load %arg8[%swap3A, %swap3A_28, %swap3A_29] : memref<1x1x1024xi32, #tpu.memory_space<vmem>>, vector<1x1x1024xi32>
      %swap3A_31 = vector.shape_cast %swap3A_30 : vector<1x1x1024xi32> to vector<1x1024xi32>
      %swap3A_32 = vector.shape_cast %add3A_27 : vector<1x1024xi32> to vector<1x1x1024xi32>
      tpu.vector_store %arg8[%swap3A, %swap3A_28, %swap3A_29], %swap3A_32 {strides = array<i32>} : memref<1x1x1024xi32, #tpu.memory_space<vmem>>, vector<1x1x1024xi32>,
    } else {
    }
    return
  }
  func.func @transform_0(%arg0: i32, %arg1: i32, %arg2: memref<8xi32, #tpu.memory_space<smem>>, %arg3: memref<8xi32, #tpu.memory_space<smem>>) -> (i32, i32, i32) {
    %c0_i32 = arith.constant 0 : i32
    %c0_i32_0 = arith.constant 0 : i32
    %c0_i32_1 = arith.constant 0 : i32
    return %arg0, %c0_i32, %c0_i32_0 : i32, i32, i32
  }
  func.func @transform_1(%arg0: i32, %arg1: i32, %arg2: memref<8xi32, #tpu.memory_space<smem>>, %arg3: memref<8xi32, #tpu.memory_space<smem>>) -> (i32, i32) {
    %c0_i32 = arith.constant 0 : i32
    %c0_i32_0 = arith.constant 0 : i32
    %c0_i32_1 = arith.constant 0 : i32
    return %c0_i32, %c0_i32_0 : i32, i32
  }
  func.func @transform_2(%arg0: i32, %arg1: i32, %arg2: memref<8xi32, #tpu.memory_space<smem>>, %arg3: memref<8xi32, #tpu.memory_space<smem>>) -> (i32, i32) {
    %c0_i32 = arith.constant 0 : i32
    %c0_i32_0 = arith.constant 0 : i32
    %c0_i32_1 = arith.constant 0 : i32
    return %c0_i32, %c0_i32_0 : i32, i32
  }
  func.func @transform_3(%arg0: i32, %arg1: i32, %arg2: memref<8xi32, #tpu.memory_space<smem>>, %arg3: memref<8xi32, #tpu.memory_space<smem>>) -> (i32, i32) {
    %c0_i32 = arith.constant 0 : i32
    %c0_i32_0 = arith.constant 0 : i32
    %c0_i32_1 = arith.constant 0 : i32
    return %c0_i32, %c0_i32_0 : i32, i32
  }
  func.func @transform_4(%arg0: i32, %arg1: i32, %arg2: memref<8xi32, #tpu.memory_space<smem>>, %arg3: memref<8xi32, #tpu.memory_space<smem>>) -> (i32, i32, i32) {
    %c0_i32 = arith.constant 0 : i32
    %c0_i32_0 = arith.constant 0 : i32
    %c0_i32_1 = arith.constant 0 : i32
    return %arg0, %c0_i32, %c0_i32_0 : i32, i32, i32
  }
}

module attributes {stable_mosaic.version = 14 : i64} {
  func.func @_final_body(%arg0: i32, %arg1: memref<1x256x1024xf32, #tpu.memory_space<vmem>>, %arg2: memref<1x1024x256xf32, #tpu.memory_space<vmem>>, %arg3: memref<256x256xf32, #tpu.memory_space<vmem>>, %arg4: memref<1x256xf32, #tpu.memory_space<vmem>>, %arg5: memref<1x256x1024xf32, #tpu.memory_space<vmem>>, %arg6: memref<1x1x1xf32, #tpu.memory_space<smem>>) attributes {dimension_semantics = [#tpu.dimension_semantics<arbitrary>], iteration_bounds = array<i64: 8>, scalar_prefetch = 0 : i64, scratch_operands = 0 : i64, tpu.core_type = #tpu.core_type<tc>, window_params = [{transform_indices = @transform_0, window_bounds = array<i64: 1, 256, 1024>}, {transform_indices = @transform_1, window_bounds = array<i64: 1, 1024, 256>}, {pipeline_mode = #tpu.pipeline_mode<synchronous>, transform_indices = @transform_2, window_bounds = array<i64: 256, 256>}, {pipeline_mode = #tpu.pipeline_mode<synchronous>, transform_indices = @transform_3, window_bounds = array<i64: 1, 256>}, {transform_indices = @transform_4, window_bounds = array<i64: 1, 256, 1024>}, {transform_indices = @transform_5, window_bounds = array<i64: 1, 1, 1>}]} {
    %get3A = arith.constant 0 : index
    %get3A_0 = arith.constant 0 : index
    %get3A_1 = arith.constant 0 : index
    %get3A_2 = vector.load %arg2[%get3A, %get3A_0, %get3A_1] : memref<1x1024x256xf32, #tpu.memory_space<vmem>>, vector<1x1024x256xf32>
    %get3A_3 = vector.shape_cast %get3A_2 : vector<1x1024x256xf32> to vector<1024x256xf32>
    %get3A_4 = arith.constant 0 : index
    %get3A_5 = arith.constant 0 : index
    %get3A_6 = vector.load %arg3[%get3A_4, %get3A_5] : memref<256x256xf32, #tpu.memory_space<vmem>>, vector<256x256xf32>
    %dot_general3A = arith.constant dense<0.000000e+00> : vector<1024x256xf32>
    %dot_general3A_7 = tpu.matmul %get3A_3, %get3A_6, %dot_general3A {dimension_numbers = #tpu.dot_dimension_numbers<[1], [1], [0], [0], [0, 0, 1, 0], [], []>, transpose_lhs_hint = false} : vector<1024x256xf32>, vector<256x256xf32>, vector<1024x256xf32> -> vector<1024x256xf32>
    %get3A_8 = arith.constant 0 : index
    %get3A_9 = arith.constant 0 : index
    %get3A_10 = vector.load %arg4[%get3A_8, %get3A_9] : memref<1x256xf32, #tpu.memory_space<vmem>>, vector<1x256xf32>
    %add3A = vector.broadcast %get3A_10 : vector<1x256xf32> to vector<1024x256xf32>
    %add3A_11 = arith.addf %dot_general3A_7, %add3A : vector<1024x256xf32>
    %transpose3A = tpu.transpose %add3A_11, [1, 0] : vector<1024x256xf32> -> vector<256x1024xf32>
    %get3A_12 = arith.constant 0 : index
    %get3A_13 = arith.constant 0 : index
    %get3A_14 = arith.constant 0 : index
    %get3A_15 = vector.load %arg1[%get3A_12, %get3A_13, %get3A_14] : memref<1x256x1024xf32, #tpu.memory_space<vmem>>, vector<1x256x1024xf32>
    %get3A_16 = vector.shape_cast %get3A_15 : vector<1x256x1024xf32> to vector<256x1024xf32>
    %swap3A = arith.constant 0 : index
    %swap3A_17 = arith.constant 0 : index
    %swap3A_18 = arith.constant 0 : index
    %swap3A_19 = vector.load %arg5[%swap3A, %swap3A_17, %swap3A_18] : memref<1x256x1024xf32, #tpu.memory_space<vmem>>, vector<1x256x1024xf32>
    %swap3A_20 = vector.shape_cast %swap3A_19 : vector<1x256x1024xf32> to vector<256x1024xf32>
    %swap3A_21 = vector.shape_cast %transpose3A : vector<256x1024xf32> to vector<1x256x1024xf32>
    tpu.vector_store %arg5[%swap3A, %swap3A_17, %swap3A_18], %swap3A_21 {strides = array<i32>} : memref<1x256x1024xf32, #tpu.memory_space<vmem>>, vector<1x256x1024xf32>,
    %sub3A = arith.subf %transpose3A, %get3A_16 : vector<256x1024xf32>
    %mul3A = arith.mulf %sub3A, %sub3A : vector<256x1024xf32>
    %reduce_sum3A = vector.shape_cast %mul3A : vector<256x1024xf32> to vector<1x256x1024xf32>
    %reduce_sum3A_22 = arith.constant dense<0.000000e+00> : vector<1xf32>
    %reduce_sum3A_23 = vector.multi_reduction <add>, %reduce_sum3A, %reduce_sum3A_22 [1, 2] : vector<1x256x1024xf32> to vector<1xf32>
    %reduce_sum3A_24 = vector.shape_cast %reduce_sum3A_23 : vector<1xf32> to vector<1x1x1xf32>
    %reduce_sum3A_25 = vector.extract %reduce_sum3A_24[0, 0, 0] : f32 from vector<1x1x1xf32>
    %swap3A_26 = arith.constant 0 : index
    %swap3A_27 = arith.constant 0 : index
    %swap3A_28 = arith.constant 0 : index
    %swap3A_29 = memref.load %arg6[%swap3A_26, %swap3A_27, %swap3A_28] : memref<1x1x1xf32, #tpu.memory_space<smem>>
    memref.store %reduce_sum3A_25, %arg6[%swap3A_26, %swap3A_27, %swap3A_28] : memref<1x1x1xf32, #tpu.memory_space<smem>>
    return
  }
  func.func @transform_0(%arg0: i32) -> (i32, i32, i32) {
    %c0_i32 = arith.constant 0 : i32
    %c0_i32_0 = arith.constant 0 : i32
    %c0_i32_1 = arith.constant 0 : i32
    return %arg0, %c0_i32, %c0_i32_0 : i32, i32, i32
  }
  func.func @transform_1(%arg0: i32) -> (i32, i32, i32) {
    %c0_i32 = arith.constant 0 : i32
    %c0_i32_0 = arith.constant 0 : i32
    %c0_i32_1 = arith.constant 0 : i32
    return %arg0, %c0_i32, %c0_i32_0 : i32, i32, i32
  }
  func.func @transform_2(%arg0: i32) -> (i32, i32) {
    %c0_i32 = arith.constant 0 : i32
    %c0_i32_0 = arith.constant 0 : i32
    %c0_i32_1 = arith.constant 0 : i32
    return %c0_i32, %c0_i32_0 : i32, i32
  }
  func.func @transform_3(%arg0: i32) -> (i32, i32) {
    %c0_i32 = arith.constant 0 : i32
    %c0_i32_0 = arith.constant 0 : i32
    %c0_i32_1 = arith.constant 0 : i32
    return %c0_i32, %c0_i32_0 : i32, i32
  }
  func.func @transform_4(%arg0: i32) -> (i32, i32, i32) {
    %c0_i32 = arith.constant 0 : i32
    %c0_i32_0 = arith.constant 0 : i32
    %c0_i32_1 = arith.constant 0 : i32
    return %arg0, %c0_i32, %c0_i32_0 : i32, i32, i32
  }
  func.func @transform_5(%arg0: i32) -> (i32, i32, i32) {
    %c0_i32 = arith.constant 0 : i32
    %c0_i32_0 = arith.constant 0 : i32
    %c0_i32_1 = arith.constant 0 : i32
    return %arg0, %c0_i32, %c0_i32_0 : i32, i32, i32
  }
}

</mosaic_0001>

<sc_bundles>
// kernel: kernel.5.cloned.1.call-start
scs
__scs_entry_jumppad:
0x0: {  	(pc) =	sbr.rel $0x88, $3  }
0x1: {  	(tag) =	ssettag $0x0;
	lr =	simm.s32 $0x1  }
0x2: {  	[smem:$0x3F9C] =	sst lr;
	_ =	strace $0xD0000000  }
0x3: {  	_ = 	snop  }
0x4: {  	_ = 	snop  }
0x5: {  	_ = 	snop  }
0x6: {  	_ = 	snop  }
0x7: {  	_ = 	snop  }
__scs_overlays_trampoline_lowered:
0x8: {  	[smem:$0x3FAB] =	sst s0  }
0x9: {  	[smem:$0x3FAC] =	sst s1  }
0xa: {  	[smem:$0x3FAD] =	sst s2  }
0xb: {  	[smem:$0x3FAE] =	sst s3  }
0xc: {  	[smem:$0x3FAF] =	sst s4  }
0xd: {  	[smem:$0x3FB0] =	sst s5  }
0xe: {  	[smem:$0x3FB1] =	sst s6  }
0xf: {  	[smem:$0x3FB2] =	sst s7  }
0x10: {  	[smem:$0x3FB3] =	sst s8  }
0x11: {  	[smem:$0x3FB4] =	sst s9;
	s0 =	simm.s32 @!p0 $0x0  }
0x12: {  	s1 =	sld [smem:$0x3F9A];
	s0 =	simm.s32 @p0 $0x1  }
0x13: {  	[smem:$0x3FB5] =	sst s0;
	s0 =	simm.s32 @!p1 $0x0  }
0x14: {  	s2 =	sld [smem:$0x3F99];
	s0 =	simm.s32 @p1 $0x1  }
0x15: {  	[smem:$0x3FB6] =	sst s0;
	s0 =	simm.s32 @!p2 $0x0  }
0x16: {  	s3 =	sld [smem:$0x3FDB];
	s0 =	simm.s32 @p2 $0x1  }
0x17: {  	s4 =	simm.s32 $0x1BF5;
	[smem:$0x3FB8] =	sst s0  }
0x18: {  	s0 =	sld [smem:$0x3F9B];
	_ =	swait.ge [sflag:s4], $0x0  }
0x19: {  	s7 =	sld [smem:$0x3F9C]  }
0x1a: {  	s8 =	sadd.s32 $0xFFFFE003, lr  }
0x1b: {  	s9 =	sadd.s32 $0xFFFFFEF7, lr;
	s5 =	simm.s32 $0xFFFFFFFF;
	p2 =	slt.u32 s8, $0xFFFFF086  }
0x1c: {  	p1 =	slt.u32 s9, $0xF7A;
	s5 =	simm.s32 @!p2 $0x0  }
0x1d: {  	s5 =	simm.s32 @p1 $0x1;
	p0 =	seq.s32 s7, s2  }
0x1e: {  	s7 =	smul.u32 @!p0 $0xF7A, s2;
	p2 =	seq.s32 @!p0 s5, $0x0  }
0x1f: {  	s9 =	smul.u32 $0xF7A, s1;
	s8 =	simm.s32 @!p0 $0x1BF5;
	p2 =	por !p2, p0  }
0x20: {  	[sflag:s8] =	ssyncset.s32 @!p0 $0xFFFFF086;
	s6 =	sadd.s32 @!p0 s3, s7;
	s7 =	simm.s32 @!p0 $0x108  }
0x21: {  	s3 =	sadd.s32 s3, s9;
	s6 =	sadd.s32 @!p0 $0x88, s6;
	s7 =	simm.s32 @p2 $0x1082  }
0x22: {  	[simem:s7], [sflag:s8] =	dma.local @!p0 [hbm:s6], $0xF7A  }
0x23: {  	s9 =	sor.u32 $0xD0000000, s2;
	s6 =	simm.s32 $0x108;
	_ =	swait.ge @!p0 [sflag:s8], $0x0  }
0x24: {  	s3 =	sadd.s32 $0x88, s3;
	s6 =	simm.s32 @!p1 $0x1082;
	[sflag:s4] =	ssyncset.s32 $0xFFFFF086  }
0x25: {  	[simem:s6], [sflag:s4] =	dma.local [hbm:s3], $0xF7A  }
0x26: {  	[smem:$0x3F9C] =	sst s1;
	(tag) =	ssettag s2;
	_ =	strace s9  }
0x27: {  	s1 =	sld [smem:$0x3FAC]  }
0x28: {  	s2 =	sld [smem:$0x3FAD]  }
0x29: {  	s4 =	sld [smem:$0x3FAF]  }
0x2a: {  	p0 =	seq.s32 s5, $0x0;
	s5 =	sld [smem:$0x3FB0]  }
0x2b: {  	s6 =	sld [smem:$0x3FB1]  }
0x2c: {  	s7 =	sld [smem:$0x3FB2]  }
0x2d: {  	s3 =	simm.s32 $0x108;
	s8 =	sld [smem:$0x3FB3]  }
0x2e: {  	s3 =	simm.s32 @!p0 $0x1082;
	s9 =	sld [smem:$0x3FB4]  }
0x2f: {  	lr =	sadd.s32 s0, s3;
	s0 =	sld [smem:$0x3FAB]  }
0x30: {  	s3 =	sld [smem:$0x3FAE]  }
0x31: {  	[smem:$0x3FB7] =	sst s10  }
0x32: {  	s10 =	sld [smem:$0x3FB5];
	_ =	sdelay $0x3  }
0x33: {  	p0 =	seq.s32 s10, $0x1;
	s10 =	sld [smem:$0x3FB7];
	_ =	sdelay $0x3  }
0x34: {  	[smem:$0x3FB7] =	sst s10  }
0x35: {  	s10 =	sld [smem:$0x3FB6];
	_ =	sdelay $0x3  }
0x36: {  	p1 =	seq.s32 s10, $0x1;
	s10 =	sld [smem:$0x3FB7];
	_ =	sdelay $0x3  }
0x37: {  	[smem:$0x3FB7] =	sst s10  }
0x38: {  	s10 =	sld [smem:$0x3FB8]  }
0x39: {  	_ = 	snop;
	(pc) =	sbr.ind lr, $3  }
0x3a: {  	_ = 	snop  }
0x3b: {  	_ = 	snop  }
0x3c: {  	p2 =	seq.s32 s10, $0x1;
	s10 =	sld [smem:$0x3FB7]  }
0x3d: {  	_ =	shalt  }
0x3e: {  	_ =	shalt  }
0x3f: {  	_ =	shalt  }
0x40: {  	_ =	shalt  }
0x41: {  	_ =	shalt  }
0x42: {  	_ =	shalt  }
0x43: {  	_ =	shalt  }
0x44: {  	_ =	shalt  }
0x45: {  	_ =	shalt  }
0x46: {  	_ =	shalt  }
0x47: {  	_ =	shalt  }
0x48: {  	_ =	shalt  }
0x49: {  	_ =	shalt  }
0x4a: {  	_ =	shalt  }
0x4b: {  	_ =	shalt  }
0x4c: {  	_ =	shalt  }
0x4d: {  	_ =	shalt  }
0x4e: {  	_ =	shalt  }
0x4f: {  	_ =	shalt  }
0x50: {  	_ =	shalt  }
0x51: {  	_ =	shalt  }
0x52: {  	_ =	shalt  }
0x53: {  	_ =	shalt  }
0x54: {  	_ =	shalt  }
0x55: {  	_ =	shalt  }
0x56: {  	_ =	shalt  }
0x57: {  	_ =	shalt  }
0x58: {  	_ =	shalt  }
0x59: {  	_ =	shalt  }
0x5a: {  	_ =	shalt  }
0x5b: {  	_ =	shalt  }
0x5c: {  	_ =	shalt  }
0x5d: {  	_ =	shalt  }
0x5e: {  	_ =	shalt  }
0x5f: {  	_ =	shalt  }
0x60: {  	_ =	shalt  }
0x61: {  	_ =	shalt  }
0x62: {  	_ =	shalt  }
0x63: {  	_ =	shalt  }
0x64: {  	_ =	shalt  }
0x65: {  	_ =	shalt  }
0x66: {  	_ =	shalt  }
0x67: {  	_ =	shalt  }
0x68: {  	_ =	shalt  }
0x69: {  	_ =	shalt  }
0x6a: {  	_ =	shalt  }
0x6b: {  	_ =	shalt  }
0x6c: {  	_ =	shalt  }
0x6d: {  	_ =	shalt  }
0x6e: {  	_ =	shalt  }
0x6f: {  	_ =	shalt  }
0x70: {  	_ =	shalt  }
0x71: {  	_ =	shalt  }
0x72: {  	_ =	shalt  }
0x73: {  	_ =	shalt  }
0x74: {  	_ =	shalt  }
0x75: {  	_ =	shalt  }
0x76: {  	_ =	shalt  }
0x77: {  	_ =	shalt  }
0x78: {  	_ =	shalt  }
0x79: {  	_ =	shalt  }
0x7a: {  	_ =	shalt  }
0x7b: {  	_ =	shalt  }
0x7c: {  	_ =	shalt  }
0x7d: {  	_ =	shalt  }
0x7e: {  	_ =	shalt  }
0x7f: {  	_ =	shalt  }
0x80: {  	_ =	shalt  }
0x81: {  	_ =	shalt  }
0x82: {  	_ =	shalt  }
0x83: {  	_ =	shalt  }
0x84: {  	_ =	shalt  }
0x85: {  	_ =	shalt  }
0x86: {  	_ =	shalt  }
0x87: {  	_ =	shalt  }
.Lfunc_end0:
.L_simem_size_0:
called_computation_lowered:
.L_overlay_start_0:
0x88: {  	s2 =	sld [smem:$0x3FD9]  }
0x89: {  	s3 =	sld [smem:$0x3FFE];
	_ =	sdelay $0x1  }
0x8a: {  	s1 =	srdreg.scid  }
0x8b: {  	s0 =	sand.u32 $0x1, s1  }
0x8c: {  	s14 =	sshll.u32 s0, $0xA;
	s2 =	sadd.s32 s3, s2  }
0x8d: {  	s2 =	sadd.s32 s2, s14  }
0x8e: {  	[smem:$0x3FC3] =	sst s2  }
0x8f: {  	_ = 	snop  }
0x90: {  	s2 =	sld [smem:$0x3FD0];
	_ =	sdelay $0x2  }
0x91: {  	s4 =	simm.s32 $0xA;
	s5 =	simm.s32 $0x10;
	s15 =	sld [smem:$0x3FC7]  }
0x92: {  	[smem:s5], [sflag:s4] =	dma.local [hbm:s2], $0x1  }
0x93: {  	_ =	swait.eq [sflag:s4], $0x1  }
0x94: {  	[sflag:s4] =	ssyncset.done $0x0  }
0x95: {  	[sflag:s4] =	ssyncadd.s32 $0xFFFFFFFF  }
0x96: {  	s16 =	sld [smem:$0x10];
	(tm) =	ssettm $0x1  }
0x97: {  	s17 =	sld [smem:$0x3FFB];
	_ =	sdelay $0x3  }
0x98: {  	_ =	strace s17  }
0x99: {  	s4 =	sld [smem:$0x3FFC];
	_ =	sdelay $0x3  }
0x9a: {  	_ =	strace s4  }
0x9b: {  	s4 =	sld [smem:$0x3FFD];
	_ =	sdelay $0x3  }
0x9c: {  	_ =	strace s4  }
0x9d: {  	_ =	strace $0x8FFFFFFF  }
0x9e: {  	s18 =	sld [smem:$0x3FDB];
	_ =	sdelay $0x1  }
0x9f: {  	s19 =	simm.s32 $_scs_section_size  }
0xa0: {  	s6 =	simm.s32 $_size__tile_overlayer_lowered;
	s7 =	simm.s32 $_tile_overlayer_lowered  }
0xa1: {  	s22 =	simm.s32 $0x1BFF;
	s21 =	sshll.u32 s7, $0x1;
	s4 =	sadd.s32 s19, s18  }
0xa2: {  	s8 =	simm.s32 $0x0;
	s20 =	sshll.u32 s6, $0x1;
	s6 =	sadd.s32 s21, s4  }
0xa3: {  	[timem:s8], [sflag:s22] =	dma.local [hbm:s6], s20  }
0xa4: {  	_ =	swait.ge [sflag:s22], s20  }
0xa5: {  	s5 =	ssub.s32 $0x0, s20;
	[sflag:s22] =	ssyncset.done $0x0  }
0xa6: {  	[sflag:s22] =	ssyncadd.s32 s5;
	_ =	sdelay $0x1  }
0xa7: {  	s23 =	simm.s32 $0x1B8B  }
0xa8: {  	_ =	swait.ge [sflag:s23], $0x1  }
0xa9: {  	[sflag:s23] =	ssyncset.done $0x0  }
0xaa: {  	s25 =	simm.s32 $0x1B8E;
	s24 =	sld [smem:$0x3FFE];
	[sflag:s23] =	ssyncadd.s32 $0xFFFFFFFF  }
0xab: {  	s26 =	simm.s32 $execute0_lowered;
	[smem:$0x3FD2] =	sst s25  }
0xac: {  	s6 =	sshll.u32 s26, $0x1;
	_ =	strace $0x80000046;
	[dreg:$0x1] =	wrdreg $0xFFFFFFFF  }
0xad: {  	s28 =	simm.s32 $_size_execute0_lowered;
	s4 =	sadd.s32 s4, s6;
	[dreg:$0x0] =	wrdreg $0x0  }
0xae: {  	s6 =	sshll.u32 s28, $0x1;
	[dreg:$0x2] =	wrdreg s4  }
0xaf: {  	[dreg:$0x3] =	wrdreg s6  }
0xb0: {  	[dreg:$0x4] =	wrdreg $0xC0  }
0xb1: {  	_ =	task [dreg:s8], $0x5FFFF  }
0xb2: {  	[dreg:$0x1] =	wrdreg $0xFFFFFFFF  }
0xb3: {  	[dreg:$0x0] =	wrdreg $0x60  }
0xb4: {  	[dreg:$0x2] =	wrdreg s15  }
0xb5: {  	[dreg:$0x3] =	wrdreg s24  }
0xb6: {  	[dreg:$0x4] =	wrdreg s16  }
0xb7: {  	[dreg:$0x5] =	wrdreg $0x9  }
0xb8: {  	_ =	task.clear_ibuf [dreg:s8], $0x6FFFF;
	_ =	strace $0x90000046  }
0xb9: {  	s29 =	simm.s32 $0x9;
	_ =	strace $0x80000048  }
0xba: {  	_ =	swait.ge [sflag:s29], $0x1  }
0xbb: {  	[sflag:s29] =	ssyncadd.s32 $0xFFFFFFFF  }
0xbc: {  	_ =	strace $0x90000048  }
0xbd: {  	_ =	sfence  }
0xbe: {  	s30 =	sld [smem:$0x0];
	_ =	sdelay $0x2  }
0xbf: {  	s31 =	sshll.u32 s1, $0xD;
	s1 =	sshrl.u32 s1, $0x2  }
0xc0: {  	s3 =	sand.u32 $0x4000, s31;
	s1 =	sadd.s32 s1, s30  }
0xc1: {  	s0 =	sor.u32 s3, s0;
	s1 =	sshll.u32 s1, $0x11  }
0xc2: {  	s0 =	sor.u32 s1, s0  }
0xc3: {  	s0 =	sadd.s32 $0x8F2B, s0  }
0xc4: {  	[sflag:s0] =	ssyncadd.remote.s32 $0x1  }
0xc5: {  	_ =	sfence.sel $0xFFFF  }
0xc6: {  	[dreg:$0x0] =	wrdreg $0xFFFFFFFF;
	(pc) =	sbr.abs _section_cstart, $3  }
0xc7: {  	[dreg:$0x1] =	wrdreg $0xFFFFFFFF  }
0xc8: {  	_ =	task.clear_ibuf [dreg:s8], $0x2FFFF;
	_ =	strace $0x9FFFFFFF  }
0xc9: {  	(tm) =	ssettm $0x7FFFFFFF  }
tec
execute0_lowered:
.L_overlay_start_1:
0x0: {  	(tag) =	ssettag $0x1  }
0x1: {  	s2 =	srdreg.scid;
	s1 =	rddreg [dreg:$0x0]  }
0x2: {  	s0 =	stileid.u32;
	s4 =	rddreg [dreg:$0x1]  }
0x3: {  	s6 =	rddreg [dreg:$0x2];
	s18 =	simm.s32 $0x80;
	s19 =	simm.s32 $0x900  }
0x4: {  	s20 =	simm.s32 $0x1100;
	s21 =	simm.s32 $0x1900;
	s23 =	simm.s32 $0x2100  }
0x5: {  	s24 =	simm.s32 $0x2900;
	s25 =	simm.s32 $0x3100;
	s26 =	simm.s32 $0x3900  }
0x6: {  	s8 =	simm.s32 $0x4900;
	s9 =	simm.s32 $0x5100;
	s10 =	simm.s32 $0x5900  }
0x7: {  	s11 =	simm.s32 $0x6100;
	s12 =	simm.s32 $0x6900;
	s2 =	sand.u32 $0x1, s2  }
0x8: {  	s13 =	simm.s32 $0x7100;
	s3 =	sshll.u32 s0, $0x9;
	s5 =	sshll.u32 s2, $0x8  }
0x9: {  	s14 =	simm.s32 $0x7900;
	s5 =	sor.u32 s5, s3;
	s3 =	simm.s32 $0x0  }
0xa: {  	s15 =	simm.s32 $0x8100;
	s16 =	simm.s32 $0x8900;
	[smem:$0x7FF] =	sst s3  }
0xb: {  	s28 =	simm.s32 $0xE100;
	_ =	strace $0x80000047;
	[dreg:$0x7] =	wrdreg s18  }
0xc: {  	s29 =	simm.s32 $0xE900;
	s30 =	simm.s32 $0xF100;
	[dreg:$0x8] =	wrdreg s19  }
0xd: {  	s31 =	simm.s32 $0xF900;
	s2 =	ssub.s32 $0x2, s2;
	[dreg:$0x9] =	wrdreg s20  }
0xe: {  	s22 =	sshrl.u32 s2, $0x1;
	s7 =	sshrl.u32 s5, $0x3;
	[dreg:$0xa] =	wrdreg s21  }
0xf: {  	s5 =	sshll.u32 s5, $0x5;
	s2 =	ssub.s32 s2, s22;
	[dreg:$0xb] =	wrdreg s23  }
0x10: {  	s22 =	simm.s32 $0xB900;
	s4 =	sadd.s32 s7, s4;
	[dreg:$0xc] =	wrdreg s24  }
0x11: {  	s17 =	sadd.s32 s6, s5;
	s5 =	simm.s32 $0x2;
	[dreg:$0xd] =	wrdreg s25  }
0x12: {  	s6 =	simm.s32 $0x100;
	[dreg:$0xe] =	wrdreg s26;
	s18 =	simm.s32 $0x9900  }
0x13: {  	s19 =	simm.s32 $0xA100;
	s20 =	simm.s32 $0xA900;
	s21 =	simm.s32 $0xB100  }
0x14: {  	s23 =	simm.s32 $0xC100;
	s24 =	simm.s32 $0xC900;
	s25 =	simm.s32 $0xD100  }
0x15: {  	v2 =	vlaneseq.u32;
	s26 =	simm.s32 $0xD900;
	s7 =	sadd.s32 $0x1E00, s4;
	[dreg:$0x6] =	wrdreg s17  }
0x16: {  	vm0 =	vmmov $0xffff;
	v1 =	vshrl.u32 v2, $0x3;
	s4 =	sadd.s32 $0x1E10, s4;
	s17 =	simm.s32 $0x9100;
	[dreg:$0x4] =	wrdreg s7  }
0x17: {  	v0 =	vand.u32 $0x7, v2;
	v2 =	vor.u32 $0x8, v2;
	v1 =	vmul.u32 $0x8, v1;
	[dreg:$0x5] =	wrdreg s4;
	s4 =	smax.u32 s2, $0x1;
	s2 =	simm.s32 $0x1  }
.LBB2_1:
0x18: {  	s0 =	rddreg [dreg:$0x4]  }
0x19: {  	[tilespmem:s3], [sflag:$0x2] =	stream.linear.gather [hbm4b:s0+s3], $0x80, $0x38;
	[tilespmem:$0x10100] =	vst v63  }
0x1a: {  	_ =	swait.ge [sflag:s5], $0x80  }
0x1b: {  	s0 =	rddreg [dreg:$0x5];
	[sflag:s5] =	ssyncset.done $0x0  }
0x1c: {  	s7 =	rddreg [dreg:$0x7];
	[sflag:s5] =	ssyncadd.s32 $0xFFFFFF80  }
0x1d: {  	[tilespmem:s7], [sflag:$0x2] =	stream.linear.gather [hbm4b:s0+s3], $0x80, $0x38;
	[tilespmem:$0x10100] =	vst v63  }
0x1e: {  	_ =	swait.ge [sflag:s5], $0x80  }
0x1f: {  	[sflag:s5] =	ssyncset.done $0x0  }
0x20: {  	[sflag:s5] =	ssyncadd.s32 $0xFFFFFF80  }
0x21: {  	v3 =	vld [tilespmem:$0x0];
	_ =	sdelay $0x4  }
0x22: {  	v4 =	vshll.u32 v3, $0x1  }
0x23: {  	v3 =	vand.u32 $0x7, v3;
	v4 =	vand.u32 $0xFFFFFFF0, v4  }
0x24: {  	v3 =	vor.u32 v3, v4  }
0x25: {  	v4 =	vperm.xlane v3, v0;
	_ =	sdelay $0x1  }
0x26: {  	v3 =	vperm.xlane v3, v2;
	v4 =	vadd.s32 v1, v4;
	_ =	sdelay $0x1  }
0x27: {  	v3 =	vadd.s32 v1, v3;
	_ =	sdelay $0x2  }
0x28: {  	[tilespmem:s6], [sflag:$0x1] =	stream.indirect_vreg.gather [hbm4b:s1+s3], $0x80, v4, vm0, $0xb8;
	[tilespmem:$0x10100] =	vst v63  }
0x29: {  	s7 =	rddreg [dreg:$0x8]  }
0x2a: {  	[tilespmem:s7], [sflag:$0x1] =	stream.indirect_vreg.gather [hbm4b:s1+s3], $0x80, v3, vm0, $0xb8;
	[tilespmem:$0x10100] =	vst v63  }
0x2b: {  	v3 =	vld [tilespmem:$0x10];
	_ =	sdelay $0x4  }
0x2c: {  	v49 =	vshll.u32 v3, $0x1  }
0x2d: {  	v3 =	vand.u32 $0x7, v3;
	v4 =	vand.u32 $0xFFFFFFF0, v49  }
0x2e: {  	v3 =	vor.u32 v3, v4  }
0x2f: {  	v4 =	vperm.xlane v3, v0;
	_ =	sdelay $0x1  }
0x30: {  	v3 =	vperm.xlane v3, v2;
	v4 =	vadd.s32 v1, v4;
	_ =	sdelay $0x1  }
0x31: {  	v3 =	vadd.s32 v1, v3;
	_ =	sdelay $0x1  }
0x32: {  	s0 =	rddreg [dreg:$0x9]  }
0x33: {  	[tilespmem:s0], [sflag:$0x1] =	stream.indirect_vreg.gather [hbm4b:s1+s3], $0x80, v4, vm0, $0xb8;
	[tilespmem:$0x10100] =	vst v63  }
0x34: {  	s7 =	rddreg [dreg:$0xa]  }
0x35: {  	[tilespmem:s7], [sflag:$0x1] =	stream.indirect_vreg.gather [hbm4b:s1+s3], $0x80, v3, vm0, $0xb8;
	[tilespmem:$0x10100] =	vst v63  }
0x36: {  	v3 =	vld [tilespmem:$0x20];
	_ =	sdelay $0x4  }
0x37: {  	v50 =	vshll.u32 v3, $0x1  }
0x38: {  	v3 =	vand.u32 $0x7, v3;
	v4 =	vand.u32 $0xFFFFFFF0, v50  }
0x39: {  	v3 =	vor.u32 v3, v4  }
0x3a: {  	v4 =	vperm.xlane v3, v0;
	_ =	sdelay $0x1  }
0x3b: {  	v3 =	vperm.xlane v3, v2;
	v4 =	vadd.s32 v1, v4;
	_ =	sdelay $0x1  }
0x3c: {  	v3 =	vadd.s32 v1, v3;
	_ =	sdelay $0x1  }
0x3d: {  	s0 =	rddreg [dreg:$0xb]  }
0x3e: {  	[tilespmem:s0], [sflag:$0x1] =	stream.indirect_vreg.gather [hbm4b:s1+s3], $0x80, v4, vm0, $0xb8;
	[tilespmem:$0x10100] =	vst v63  }
0x3f: {  	s7 =	rddreg [dreg:$0xc]  }
0x40: {  	[tilespmem:s7], [sflag:$0x1] =	stream.indirect_vreg.gather [hbm4b:s1+s3], $0x80, v3, vm0, $0xb8;
	[tilespmem:$0x10100] =	vst v63  }
0x41: {  	v3 =	vld [tilespmem:$0x30];
	_ =	sdelay $0x4  }
0x42: {  	v51 =	vshll.u32 v3, $0x1  }
0x43: {  	v3 =	vand.u32 $0x7, v3;
	v4 =	vand.u32 $0xFFFFFFF0, v51  }
0x44: {  	v3 =	vor.u32 v3, v4  }
0x45: {  	v4 =	vperm.xlane v3, v0;
	_ =	sdelay $0x1  }
0x46: {  	v3 =	vperm.xlane v3, v2;
	v4 =	vadd.s32 v1, v4;
	_ =	sdelay $0x1  }
0x47: {  	v3 =	vadd.s32 v1, v3;
	_ =	sdelay $0x1  }
0x48: {  	s0 =	rddreg [dreg:$0xd]  }
0x49: {  	[tilespmem:s0], [sflag:$0x1] =	stream.indirect_vreg.gather [hbm4b:s1+s3], $0x80, v4, vm0, $0xb8;
	[tilespmem:$0x10100] =	vst v63  }
0x4a: {  	s7 =	rddreg [dreg:$0xe]  }
0x4b: {  	[tilespmem:s7], [sflag:$0x1] =	stream.indirect_vreg.gather [hbm4b:s1+s3], $0x80, v3, vm0, $0xb8;
	[tilespmem:$0x10100] =	vst v63  }
0x4c: {  	v3 =	vld [tilespmem:$0x40];
	_ =	sdelay $0x4  }
0x4d: {  	v52 =	vshll.u32 v3, $0x1  }
0x4e: {  	v3 =	vand.u32 $0x7, v3;
	v4 =	vand.u32 $0xFFFFFFF0, v52  }
0x4f: {  	v3 =	vor.u32 v3, v4  }
0x50: {  	v4 =	vperm.xlane v3, v0;
	_ =	sdelay $0x1  }
0x51: {  	v3 =	vperm.xlane v3, v2;
	v4 =	vadd.s32 v1, v4;
	_ =	sdelay $0x1  }
0x52: {  	v3 =	vadd.s32 v1, v3;
	_ =	sdelay $0x1  }
0x53: {  	s7 =	simm.s32 $0x4100  }
0x54: {  	[tilespmem:s7], [sflag:$0x1] =	stream.indirect_vreg.gather [hbm4b:s1+s3], $0x80, v4, vm0, $0xb8;
	[tilespmem:$0x10100] =	vst v63  }
0x55: {  	_ = 	snop  }
0x56: {  	[tilespmem:s8], [sflag:$0x1] =	stream.indirect_vreg.gather [hbm4b:s1+s3], $0x80, v3, vm0, $0xb8;
	[tilespmem:$0x10100] =	vst v63  }
0x57: {  	v3 =	vld [tilespmem:$0x50];
	_ =	sdelay $0x4  }
0x58: {  	v53 =	vshll.u32 v3, $0x1  }
0x59: {  	v3 =	vand.u32 $0x7, v3;
	v4 =	vand.u32 $0xFFFFFFF0, v53  }
0x5a: {  	v3 =	vor.u32 v3, v4  }
0x5b: {  	v4 =	vperm.xlane v3, v0;
	_ =	sdelay $0x1  }
0x5c: {  	v3 =	vperm.xlane v3, v2;
	v4 =	vadd.s32 v1, v4;
	_ =	sdelay $0x1  }
0x5d: {  	v3 =	vadd.s32 v1, v3;
	_ =	sdelay $0x2  }
0x5e: {  	[tilespmem:s9], [sflag:$0x1] =	stream.indirect_vreg.gather [hbm4b:s1+s3], $0x80, v4, vm0, $0xb8;
	[tilespmem:$0x10100] =	vst v63  }
0x5f: {  	_ = 	snop  }
0x60: {  	[tilespmem:s10], [sflag:$0x1] =	stream.indirect_vreg.gather [hbm4b:s1+s3], $0x80, v3, vm0, $0xb8;
	[tilespmem:$0x10100] =	vst v63  }
0x61: {  	v3 =	vld [tilespmem:$0x60];
	_ =	sdelay $0x4  }
0x62: {  	v54 =	vshll.u32 v3, $0x1  }
0x63: {  	v3 =	vand.u32 $0x7, v3;
	v4 =	vand.u32 $0xFFFFFFF0, v54  }
0x64: {  	v3 =	vor.u32 v3, v4  }
0x65: {  	v4 =	vperm.xlane v3, v0;
	_ =	sdelay $0x1  }
0x66: {  	v3 =	vperm.xlane v3, v2;
	v4 =	vadd.s32 v1, v4;
	_ =	sdelay $0x1  }
0x67: {  	v3 =	vadd.s32 v1, v3;
	_ =	sdelay $0x2  }
0x68: {  	[tilespmem:s11], [sflag:$0x1] =	stream.indirect_vreg.gather [hbm4b:s1+s3], $0x80, v4, vm0, $0xb8;
	[tilespmem:$0x10100] =	vst v63  }
0x69: {  	_ = 	snop  }
0x6a: {  	[tilespmem:s12], [sflag:$0x1] =	stream.indirect_vreg.gather [hbm4b:s1+s3], $0x80, v3, vm0, $0xb8;
	[tilespmem:$0x10100] =	vst v63  }
0x6b: {  	v3 =	vld [tilespmem:$0x70];
	_ =	sdelay $0x4  }
0x6c: {  	v55 =	vshll.u32 v3, $0x1  }
0x6d: {  	v3 =	vand.u32 $0x7, v3;
	v4 =	vand.u32 $0xFFFFFFF0, v55  }
0x6e: {  	v3 =	vor.u32 v3, v4  }
0x6f: {  	v4 =	vperm.xlane v3, v0;
	_ =	sdelay $0x1  }
0x70: {  	v3 =	vperm.xlane v3, v2;
	v4 =	vadd.s32 v1, v4;
	_ =	sdelay $0x1  }
0x71: {  	v3 =	vadd.s32 v1, v3;
	_ =	sdelay $0x2  }
0x72: {  	[tilespmem:s13], [sflag:$0x1] =	stream.indirect_vreg.gather [hbm4b:s1+s3], $0x80, v4, vm0, $0xb8;
	[tilespmem:$0x10100] =	vst v63  }
0x73: {  	_ = 	snop  }
0x74: {  	[tilespmem:s14], [sflag:$0x1] =	stream.indirect_vreg.gather [hbm4b:s1+s3], $0x80, v3, vm0, $0xb8;
	[tilespmem:$0x10100] =	vst v63  }
0x75: {  	v3 =	vld [tilespmem:$0x80];
	_ =	sdelay $0x4  }
0x76: {  	v56 =	vshll.u32 v3, $0x1  }
0x77: {  	v3 =	vand.u32 $0x7, v3;
	v4 =	vand.u32 $0xFFFFFFF0, v56  }
0x78: {  	v3 =	vor.u32 v3, v4  }
0x79: {  	v4 =	vperm.xlane v3, v0;
	_ =	sdelay $0x1  }
0x7a: {  	v3 =	vperm.xlane v3, v2;
	v4 =	vadd.s32 v1, v4;
	_ =	sdelay $0x1  }
0x7b: {  	v3 =	vadd.s32 v1, v3;
	_ =	sdelay $0x2  }
0x7c: {  	[tilespmem:s15], [sflag:$0x1] =	stream.indirect_vreg.gather [hbm4b:s1+s3], $0x80, v4, vm0, $0xb8;
	[tilespmem:$0x10100] =	vst v63  }
0x7d: {  	_ = 	snop  }
0x7e: {  	[tilespmem:s16], [sflag:$0x1] =	stream.indirect_vreg.gather [hbm4b:s1+s3], $0x80, v3, vm0, $0xb8;
	[tilespmem:$0x10100] =	vst v63  }
0x7f: {  	v3 =	vld [tilespmem:$0x90];
	_ =	sdelay $0x4  }
0x80: {  	v57 =	vshll.u32 v3, $0x1  }
0x81: {  	v3 =	vand.u32 $0x7, v3;
	v4 =	vand.u32 $0xFFFFFFF0, v57  }
0x82: {  	v3 =	vor.u32 v3, v4  }
0x83: {  	v4 =	vperm.xlane v3, v0;
	_ =	sdelay $0x1  }
0x84: {  	v3 =	vperm.xlane v3, v2;
	v4 =	vadd.s32 v1, v4;
	_ =	sdelay $0x1  }
0x85: {  	v3 =	vadd.s32 v1, v3;
	_ =	sdelay $0x2  }
0x86: {  	[tilespmem:s17], [sflag:$0x1] =	stream.indirect_vreg.gather [hbm4b:s1+s3], $0x80, v4, vm0, $0xb8;
	[tilespmem:$0x10100] =	vst v63  }
0x87: {  	_ = 	snop  }
0x88: {  	[tilespmem:s18], [sflag:$0x1] =	stream.indirect_vreg.gather [hbm4b:s1+s3], $0x80, v3, vm0, $0xb8;
	[tilespmem:$0x10100] =	vst v63  }
0x89: {  	v3 =	vld [tilespmem:$0xA0];
	_ =	sdelay $0x4  }
0x8a: {  	v58 =	vshll.u32 v3, $0x1  }
0x8b: {  	v3 =	vand.u32 $0x7, v3;
	v4 =	vand.u32 $0xFFFFFFF0, v58  }
0x8c: {  	v3 =	vor.u32 v3, v4  }
0x8d: {  	v4 =	vperm.xlane v3, v0;
	_ =	sdelay $0x1  }
0x8e: {  	v3 =	vperm.xlane v3, v2;
	v4 =	vadd.s32 v1, v4;
	_ =	sdelay $0x1  }
0x8f: {  	v3 =	vadd.s32 v1, v3;
	_ =	sdelay $0x2  }
0x90: {  	[tilespmem:s19], [sflag:$0x1] =	stream.indirect_vreg.gather [hbm4b:s1+s3], $0x80, v4, vm0, $0xb8;
	[tilespmem:$0x10100] =	vst v63  }
0x91: {  	_ = 	snop  }
0x92: {  	[tilespmem:s20], [sflag:$0x1] =	stream.indirect_vreg.gather [hbm4b:s1+s3], $0x80, v3, vm0, $0xb8;
	[tilespmem:$0x10100] =	vst v63  }
0x93: {  	v3 =	vld [tilespmem:$0xB0];
	_ =	sdelay $0x4  }
0x94: {  	v59 =	vshll.u32 v3, $0x1  }
0x95: {  	v3 =	vand.u32 $0x7, v3;
	v4 =	vand.u32 $0xFFFFFFF0, v59  }
0x96: {  	v3 =	vor.u32 v3, v4  }
0x97: {  	v4 =	vperm.xlane v3, v0;
	_ =	sdelay $0x1  }
0x98: {  	v3 =	vperm.xlane v3, v2;
	v4 =	vadd.s32 v1, v4;
	_ =	sdelay $0x1  }
0x99: {  	v3 =	vadd.s32 v1, v3;
	_ =	sdelay $0x2  }
0x9a: {  	[tilespmem:s21], [sflag:$0x1] =	stream.indirect_vreg.gather [hbm4b:s1+s3], $0x80, v4, vm0, $0xb8;
	[tilespmem:$0x10100] =	vst v63  }
0x9b: {  	_ = 	snop  }
0x9c: {  	[tilespmem:s22], [sflag:$0x1] =	stream.indirect_vreg.gather [hbm4b:s1+s3], $0x80, v3, vm0, $0xb8;
	[tilespmem:$0x10100] =	vst v63  }
0x9d: {  	v3 =	vld [tilespmem:$0xC0];
	_ =	sdelay $0x4  }
0x9e: {  	v60 =	vshll.u32 v3, $0x1  }
0x9f: {  	v3 =	vand.u32 $0x7, v3;
	v4 =	vand.u32 $0xFFFFFFF0, v60  }
0xa0: {  	v3 =	vor.u32 v3, v4  }
0xa1: {  	v4 =	vperm.xlane v3, v0;
	_ =	sdelay $0x1  }
0xa2: {  	v3 =	vperm.xlane v3, v2;
	v4 =	vadd.s32 v1, v4;
	_ =	sdelay $0x1  }
0xa3: {  	v3 =	vadd.s32 v1, v3;
	_ =	sdelay $0x2  }
0xa4: {  	[tilespmem:s23], [sflag:$0x1] =	stream.indirect_vreg.gather [hbm4b:s1+s3], $0x80, v4, vm0, $0xb8;
	[tilespmem:$0x10100] =	vst v63  }
0xa5: {  	_ = 	snop  }
0xa6: {  	[tilespmem:s24], [sflag:$0x1] =	stream.indirect_vreg.gather [hbm4b:s1+s3], $0x80, v3, vm0, $0xb8;
	[tilespmem:$0x10100] =	vst v63  }
0xa7: {  	v3 =	vld [tilespmem:$0xD0];
	_ =	sdelay $0x4  }
0xa8: {  	v61 =	vshll.u32 v3, $0x1  }
0xa9: {  	v3 =	vand.u32 $0x7, v3;
	v4 =	vand.u32 $0xFFFFFFF0, v61  }
0xaa: {  	v3 =	vor.u32 v3, v4  }
0xab: {  	v4 =	vperm.xlane v3, v0;
	_ =	sdelay $0x1  }
0xac: {  	v3 =	vperm.xlane v3, v2;
	v4 =	vadd.s32 v1, v4;
	_ =	sdelay $0x1  }
0xad: {  	v3 =	vadd.s32 v1, v3;
	_ =	sdelay $0x2  }
0xae: {  	[tilespmem:s25], [sflag:$0x1] =	stream.indirect_vreg.gather [hbm4b:s1+s3], $0x80, v4, vm0, $0xb8;
	[tilespmem:$0x10100] =	vst v63  }
0xaf: {  	_ = 	snop  }
0xb0: {  	[tilespmem:s26], [sflag:$0x1] =	stream.indirect_vreg.gather [hbm4b:s1+s3], $0x80, v3, vm0, $0xb8;
	[tilespmem:$0x10100] =	vst v63  }
0xb1: {  	v3 =	vld [tilespmem:$0xE0];
	_ =	sdelay $0x4  }
0xb2: {  	v62 =	vshll.u32 v3, $0x1  }
0xb3: {  	v3 =	vand.u32 $0x7, v3;
	v4 =	vand.u32 $0xFFFFFFF0, v62  }
0xb4: {  	v3 =	vor.u32 v3, v4  }
0xb5: {  	v4 =	vperm.xlane v3, v0;
	_ =	sdelay $0x1  }
0xb6: {  	v3 =	vperm.xlane v3, v2;
	v4 =	vadd.s32 v1, v4;
	_ =	sdelay $0x1  }
0xb7: {  	v3 =	vadd.s32 v1, v3;
	_ =	sdelay $0x2  }
0xb8: {  	[tilespmem:s28], [sflag:$0x1] =	stream.indirect_vreg.gather [hbm4b:s1+s3], $0x80, v4, vm0, $0xb8;
	[tilespmem:$0x10100] =	vst v63  }
0xb9: {  	_ = 	snop  }
0xba: {  	[tilespmem:s29], [sflag:$0x1] =	stream.indirect_vreg.gather [hbm4b:s1+s3], $0x80, v3, vm0, $0xb8;
	[tilespmem:$0x10100] =	vst v63  }
0xbb: {  	v3 =	vld [tilespmem:$0xF0];
	_ =	sdelay $0x4  }
0xbc: {  	v63 =	vshll.u32 v3, $0x1  }
0xbd: {  	v3 =	vand.u32 $0x7, v3;
	v4 =	vand.u32 $0xFFFFFFF0, v63  }
0xbe: {  	v3 =	vor.u32 v3, v4  }
0xbf: {  	v4 =	vperm.xlane v3, v0;
	_ =	sdelay $0x1  }
0xc0: {  	v3 =	vperm.xlane v3, v2;
	v4 =	vadd.s32 v1, v4;
	_ =	sdelay $0x1  }
0xc1: {  	v3 =	vadd.s32 v1, v3;
	_ =	sdelay $0x2  }
0xc2: {  	[tilespmem:s30], [sflag:$0x1] =	stream.indirect_vreg.gather [hbm4b:s1+s3], $0x80, v4, vm0, $0xb8;
	[tilespmem:$0x10100] =	vst v63  }
0xc3: {  	_ = 	snop  }
0xc4: {  	[tilespmem:s31], [sflag:$0x1] =	stream.indirect_vreg.gather [hbm4b:s1+s3], $0x80, v3, vm0, $0xb8;
	[tilespmem:$0x10100] =	vst v63  }
0xc5: {  	_ =	swait.ge [sflag:s2], $0x8000  }
0xc6: {  	[sflag:s2] =	ssyncset.done $0x0  }
0xc7: {  	[sflag:s2] =	ssyncadd.s32 $0xFFFF8000  }
0xc8: {  	_ =	swait.ge [sflag:s2], $0x8000  }
0xc9: {  	p0 =	sne.s32 s4, $0x1;
	[sflag:s2] =	ssyncset.done $0x0  }
.Ltmp0:
0xca: {  	s7 =	rddreg [dreg:$0x6];
	[sflag:s2] =	ssyncadd.s32 $0xFFFF8000;
	(pc) =	sbr.rel @p0 .LBB2_1-.Ltmp0, $4  }
0xcb: {  	[hbm4b:s7+s3] =	stream.linear.scatter [tilespmem:s6], [sflag:$0x2], $0x10000, $0x38;
	[tilespmem:$0x10100] =	vst v63  }
0xcc: {  	_ =	swait.ge [sflag:s5], $0x10000  }
0xcd: {  	[sflag:s5] =	ssyncset.done $0x0  }
0xce: {  	s4 =	sadd.s32 $0xFFFFFFFF, s4;
	[sflag:s5] =	ssyncadd.s32 $0xFFFF0000  }
0xcf: {  	_ =	sfence.sel $0x180000  }
0xd0: {  	[bflag:$0x0] =	sbarrier.arrive $0xFFFF  }
0xd1: {  	_ =	strace $0x90000047  }
0xd2: {  	s0 =	stileid.u32;
	[bflag:$0x2] =	sbarrier.arrive $0xFFFF  }
0xd3: {  	p0 =	sne.s32 s0, $0x0;
	s0 =	rddreg [dreg:$0x3]  }
0xd4: {  	s0 =	sadd.s32 @!p0 $0x100000, s0  }
0xd5: {  	[sflag:s0] =	ssyncadd.tile.s32 @!p0 $0x1;
	_ =	shalt  }
.Lfunc_end2:
_tile_overlayer_lowered:
.L_overlay_start_2:
0xd6: {  	(tag) =	ssettag $0x2  }
0xd7: {  	s0 =	rddreg [dreg:$0x0];
	s2 =	stileid.u32  }
0xd8: {  	s1 =	rddreg [dreg:$0x1];
	p0 =	sne.s32 s2, $0x0  }
0xd9: {  	s3 =	rddreg [dreg:$0x2];
	[bflag:$0x3] =	sbarrier.arrive $0xFFFF;
	s2 =	simm.s32 @!p0 $0x1C02  }
0xda: {  	[timem:s3], [sflag:s2] =	dma.local @!p0 [hbm:s0], s1  }
0xdb: {  	s0 =	simm.s32 @!p0 $0x2  }
0xdc: {  	_ =	swait.ge @!p0 [sflag:s0], s1  }
0xdd: {  	s1 =	ssub.s32 @!p0 $0x0, s1;
	[sflag:s0] =	ssyncset.done @!p0 $0x0  }
0xde: {  	[sflag:s0] =	ssyncadd.s32 @!p0 s1  }
0xdf: {  	[bflag:$0x3] =	sbarrier.arrive $0xFFFF  }
0xe0: {  	_ =	shalt  }

</sc_bundles>
